<compile_context>
chip_gen: v7x
topology: tpu7x:2x2x1
jax: 0.10.2.dev20260603
libtpu: 0.0.44.dev20260713+nightly
codegen_flags: <defaults>
</compile_context>

<pallas_src>
import dataclasses
import functools

import jax
import jax.numpy as jnp
from jax import lax
from jax.experimental import pallas as pl
from jax.experimental.pallas import tpu as pltpu
from jax.experimental.pallas import tpu_sc as plsc

VOCAB = 1000
N_EMBD = 32
B = 4096
T = 8
BT = B * T
R = 2048
NB = BT // R

NC = 2
NS = 16
L = 16
NW = NC * NS
NPW = BT // NW
CH = 128
VP = 1024
GL = 128
GR = VOCAB * VP // GL
LSE_PAD = 1024


def _sc_compiler_params():
    cp = pltpu.CompilerParams()
    if "needs_layout_passes" in pltpu.CompilerParams.__dataclass_fields__:
        cp = dataclasses.replace(cp, needs_layout_passes=False)
    return cp


def _table_body(tok_ref, w_ref, b_ref, p_ref, lse_ref):
    p = (
        jnp.dot(tok_ref[...], w_ref[...], preferred_element_type=jnp.float32)
        + b_ref[...]
    )
    p_ref[...] = p
    m = jnp.max(p, axis=1, keepdims=True)
    lse_ref[...] = jnp.log(jnp.sum(jnp.exp(p - m), axis=1, keepdims=True)) + m


def _logits_body(idx_ref, tokhi_ref, toklo_ref, w_ref, b_ref, out_ref):
    idxb = idx_ref[0]
    iota16 = jax.lax.broadcasted_iota(jnp.int16, (R, VOCAB), 1)
    oh = jnp.where(
        idxb.astype(jnp.int16) == iota16, jnp.bfloat16(1), jnp.bfloat16(0)
    )
    emb = jnp.dot(oh, tokhi_ref[...], preferred_element_type=jnp.float32) + jnp.dot(
        oh, toklo_ref[...], preferred_element_type=jnp.float32
    )
    out_ref[...] = (
        jnp.dot(emb, w_ref[...], preferred_element_type=jnp.float32) + b_ref[...]
    )


def _sc_loss_body(pg_hbm, lse_hbm, idx_hbm, tgt_hbm, out_hbm,
                  idx_v, tgt_v, r_v, l_v, rows_v, lse_v, acc_v, sem):
    wid = lax.axis_index("s") * NC + lax.axis_index("c")
    base = wid * NPW
    pltpu.sync_copy(idx_hbm.at[pl.ds(base, NPW)], idx_v)
    pltpu.sync_copy(tgt_hbm.at[pl.ds(base, NPW)], tgt_v)
    pltpu.sync_copy(lse_hbm, lse_v)
    acc_v[...] = jnp.zeros((L,), jnp.float32)

    @pl.loop(0, NPW // CH)
    def _chunk(ci):
        @pl.loop(0, CH // L)
        def _prep(j):
            off = ci * CH + j * L
            e = idx_v[pl.ds(off, L)] * VP + tgt_v[pl.ds(off, L)]
            r_v[pl.ds(j * L, L)] = lax.shift_right_logical(e, 7)
            l_v[pl.ds(j * L, L)] = lax.bitwise_and(e, GL - 1)

        pltpu.async_copy(pg_hbm.at[r_v], rows_v, sem).wait()

        @pl.loop(0, CH // L)
        def _pick(j):
            off = ci * CH + j * L
            row_ids = lax.iota(jnp.int32, L) + j * L
            picked = plsc.load_gather(rows_v, [row_ids, l_v[pl.ds(j * L, L)]])
            lseg = plsc.load_gather(lse_v, [idx_v[pl.ds(off, L)]])
            acc_v[...] += lseg - picked

    pltpu.sync_copy(acc_v, out_hbm.at[wid])


def kernel(idx, targets, tok_table, pos_table, W, b):
    del pos_table
    idx_flat = idx.reshape(BT).astype(jnp.int32)
    tgt_flat = targets.reshape(BT).astype(jnp.int32)
    idx_r = idx_flat.reshape(NB, R, 1)
    tok_hi = tok_table.astype(jnp.bfloat16)
    tok_lo = (tok_table - tok_hi.astype(jnp.float32)).astype(jnp.bfloat16)
    b2 = b.reshape(1, VOCAB)

    w_pad = jnp.pad(W, ((0, 0), (0, VP - VOCAB)))
    b_pad = jnp.pad(b, (0, VP - VOCAB), constant_values=-1e30).reshape(1, VP)
    P, lse_col = pl.pallas_call(
        _table_body,
        out_shape=[
            jax.ShapeDtypeStruct((VOCAB, VP), jnp.float32),
            jax.ShapeDtypeStruct((VOCAB, 1), jnp.float32),
        ],
    )(tok_table, w_pad, b_pad)
    tok_hi = tok_table.astype(jnp.bfloat16)
    tok_lo = (tok_table - tok_hi.astype(jnp.float32)).astype(jnp.bfloat16)
    tok_cat = jnp.concatenate([tok_hi, tok_lo], axis=1)
    w_hi = W.astype(jnp.bfloat16)
    w_lo = (W - w_hi.astype(jnp.float32)).astype(jnp.bfloat16)
    b_hi = b.astype(jnp.bfloat16).reshape(1, VOCAB)
    b_lo = (b - b_hi.astype(jnp.float32).reshape(VOCAB)).astype(
        jnp.bfloat16
    ).reshape(1, VOCAB)
    wstack = jnp.concatenate([w_hi, w_lo, b_hi, b_lo], axis=0)

    logits_flat = pl.pallas_call(
        _logits_body,
        grid=(NB,),
        in_specs=[
            pl.BlockSpec((1, R, 1), lambda i: (i, 0, 0)),
            pl.BlockSpec((VOCAB, N_EMBD), lambda i: (0, 0)),
            pl.BlockSpec((VOCAB, N_EMBD), lambda i: (0, 0)),
            pl.BlockSpec((N_EMBD, VOCAB), lambda i: (0, 0)),
            pl.BlockSpec((1, VOCAB), lambda i: (0, 0)),
        ],
        out_specs=pl.BlockSpec((R, VOCAB), lambda i: (i, 0)),
        out_shape=jax.ShapeDtypeStruct((BT, VOCAB), jnp.float32),
    )(idx_r, tok_hi, tok_lo, W, b2)

    pg = P.reshape(GR, GL)
    lse_pad = jnp.pad(lse_col.reshape(VOCAB), (0, LSE_PAD - VOCAB))

    sc_loss = functools.partial(
        pl.kernel,
        mesh=plsc.VectorSubcoreMesh(
            core_axis_name="c", subcore_axis_name="s",
            num_cores=NC, num_subcores=NS,
        ),
        out_type=jax.ShapeDtypeStruct((NW, L), jnp.float32),
        scratch_types=[
            pltpu.VMEM((NPW,), jnp.int32),
            pltpu.VMEM((NPW,), jnp.int32),
            pltpu.VMEM((CH,), jnp.int32),
            pltpu.VMEM((CH,), jnp.int32),
            pltpu.VMEM((CH, GL), jnp.float32),
            pltpu.VMEM((LSE_PAD,), jnp.float32),
            pltpu.VMEM((L,), jnp.float32),
            pltpu.SemaphoreType.DMA,
        ],
        compiler_params=_sc_compiler_params(),
    )(_sc_loss_body)
    partials = sc_loss(pg, lse_pad, idx_flat, tgt_flat)

    loss = (jnp.sum(partials) / BT).astype(jnp.float32)
    return (logits_flat, loss)

# --- scband reference (transcript-rebuilt; emitter-appended) ---
"""Pipeline reference for scband-bigram-language-model-36455682408736 (READ-ONLY COPY).

The authoritative reference and input builder live on the scoring server;
editing this copy changes nothing except your own understanding.
"""

import jax, jax.numpy as jnp
import numpy as np

VOCAB = 1000
N_EMBD = 32
BLOCK_SIZE = 8
B = 4096
T = 8

def setup_inputs(seed: int = 0) -> dict:
    key = jax.random.key(seed)
    k1, k2, k3, k4, k5, k6 = jax.random.split(key, 6)
    idx = jax.random.randint(k1, (B, T), 0, VOCAB, dtype=jnp.int64) if jax.config.jax_enable_x64 else jax.random.randint(k1, (B, T), 0, VOCAB).astype(jnp.int32)
    targets = jax.random.randint(k2, (B, T), 0, VOCAB).astype(idx.dtype)
    tok_table = jax.random.normal(k3, (VOCAB, N_EMBD), dtype=jnp.float32)
    pos_table = jax.random.normal(k4, (BLOCK_SIZE, N_EMBD), dtype=jnp.float32)
    W = jax.random.normal(k5, (N_EMBD, VOCAB), dtype=jnp.float32) * (1.0 / np.sqrt(N_EMBD))
    b = jax.random.normal(k6, (VOCAB,), dtype=jnp.float32) * 0.01
    return {"idx": idx, "targets": targets, "tok_table": tok_table, "pos_table": pos_table, "W": W, "b": b}

def reference(idx, targets, tok_table, pos_table, W, b):
    # token embedding lookup (gather)
    tok_emb = jnp.take(tok_table, idx, axis=0)  # [B, T, n_embd]
    # positional embedding (computed as in original forward; unused in logits, matching source)
    t = idx.shape[1]
    pos_emb = jnp.take(pos_table, jnp.arange(t), axis=0)  # [T, n_embd]
    _ = pos_emb
    # linear projection to vocabulary
    logits = tok_emb @ W + b  # [B, T, vocab]
    Bv, Tv, C = logits.shape
    logits_flat = logits.reshape(Bv * Tv, C)
    targets_flat = targets.reshape(Bv * Tv)
    # cross entropy
    logp = jax.nn.log_softmax(logits_flat, axis=-1)
    nll = -jnp.take_along_axis(logp, targets_flat[:, None], axis=1)[:, 0]
    loss = jnp.mean(nll)
    return (logits_flat, loss)

if __name__ == "__main__":
    import jax
    _d = setup_inputs()
    print(jax.jit(kernel)(*tuple(_d.values())))

</pallas_src>

<mosaic_0001>
#map = affine_map<(d0, d1) -> (0, 0)>
#map1 = affine_map<(d0, d1) -> (0)>
module attributes {stable_mosaic.version = 14 : i64} {
  func.func @_sc_loss_body(%arg0: i32, %arg1: i32, %arg2: memref<8000x128xf32, #tpu.memory_space<hbm>>, %arg3: memref<1024xf32, #tpu.memory_space<hbm>>, %arg4: memref<32768xi32, #tpu.memory_space<hbm>>, %arg5: memref<32768xi32, #tpu.memory_space<hbm>>, %arg6: memref<32x16xf32, #tpu.memory_space<hbm>>, %arg7: memref<1024xi32, #tpu.memory_space<vmem>>, %arg8: memref<1024xi32, #tpu.memory_space<vmem>>, %arg9: memref<128xi32, #tpu.memory_space<vmem>>, %arg10: memref<128xi32, #tpu.memory_space<vmem>>, %arg11: memref<128x128xf32, #tpu.memory_space<vmem>>, %arg12: memref<1024xf32, #tpu.memory_space<vmem>>, %arg13: memref<16xf32, #tpu.memory_space<vmem>>, %arg14: memref<!tpu.dma_semaphore, #tpu.memory_space<semaphore_mem>>) attributes {dimension_semantics = [#tpu.dimension_semantics<core_parallel>, #tpu.dimension_semantics<subcore_parallel>], iteration_bounds = array<i64: 2, 16>, scalar_prefetch = 0 : i64, scratch_operands = 8 : i64, tpu.core_type = #tpu.core_type<sc_vector_subcore>, window_params = [{transform_indices = #map}, {transform_indices = #map1}, {transform_indices = #map1}, {transform_indices = #map1}, {transform_indices = #map}]} {
    %mul3A = arith.constant 2 : i32
    %mul3A_0 = arith.muli %arg1, %mul3A : i32
    %add3A = arith.addi %mul3A_0, %arg0 : i32
    %mul3A_1 = arith.constant 1024 : i32
    %mul3A_2 = arith.muli %add3A, %mul3A_1 : i32
    "tpu.region"() ({
      %run_scoped3A = tpu.sem_alloc : memref<!tpu.dma_semaphore, #tpu.memory_space<semaphore_mem>>
      %dma_start3A = tpu.memref_slice %arg4[%mul3A_2] : memref<32768xi32, #tpu.memory_space<hbm>> -> memref<1024xi32, #tpu.memory_space<hbm>>
      %dma_start3A_9 = tpu.memref_slice %arg4[%mul3A_2] : memref<32768xi32, #tpu.memory_space<hbm>> -> memref<1024xi32, #tpu.memory_space<hbm>>
      tpu.enqueue_dma source(%dma_start3A_9 : memref<1024xi32, #tpu.memory_space<hbm>>) target(%arg7 : memref<1024xi32, #tpu.memory_space<vmem>>) target_semaphore(%run_scoped3A : memref<!tpu.dma_semaphore, #tpu.memory_space<semaphore_mem>>)
      %dma_wait3A = tpu.memref_slice %arg4[%mul3A_2] : memref<32768xi32, #tpu.memory_space<hbm>> -> memref<1024xi32, #tpu.memory_space<hbm>>
      %dma_wait3A_10 = tpu.memref_slice %arg4[%mul3A_2] : memref<32768xi32, #tpu.memory_space<hbm>> -> memref<1024xi32, #tpu.memory_space<hbm>>
      tpu.wait_dma2 semaphore(%run_scoped3A : memref<!tpu.dma_semaphore, #tpu.memory_space<semaphore_mem>>) src(%dma_wait3A_10 : memref<1024xi32, #tpu.memory_space<hbm>>) dst(%arg7 : memref<1024xi32, #tpu.memory_space<vmem>>)
      tpu.yield
    }) : () -> ()
    "tpu.region"() ({
      %run_scoped3A = tpu.sem_alloc : memref<!tpu.dma_semaphore, #tpu.memory_space<semaphore_mem>>
      %dma_start3A = tpu.memref_slice %arg5[%mul3A_2] : memref<32768xi32, #tpu.memory_space<hbm>> -> memref<1024xi32, #tpu.memory_space<hbm>>
      %dma_start3A_9 = tpu.memref_slice %arg5[%mul3A_2] : memref<32768xi32, #tpu.memory_space<hbm>> -> memref<1024xi32, #tpu.memory_space<hbm>>
      tpu.enqueue_dma source(%dma_start3A_9 : memref<1024xi32, #tpu.memory_space<hbm>>) target(%arg8 : memref<1024xi32, #tpu.memory_space<vmem>>) target_semaphore(%run_scoped3A : memref<!tpu.dma_semaphore, #tpu.memory_space<semaphore_mem>>)
      %dma_wait3A = tpu.memref_slice %arg5[%mul3A_2] : memref<32768xi32, #tpu.memory_space<hbm>> -> memref<1024xi32, #tpu.memory_space<hbm>>
      %dma_wait3A_10 = tpu.memref_slice %arg5[%mul3A_2] : memref<32768xi32, #tpu.memory_space<hbm>> -> memref<1024xi32, #tpu.memory_space<hbm>>
      tpu.wait_dma2 semaphore(%run_scoped3A : memref<!tpu.dma_semaphore, #tpu.memory_space<semaphore_mem>>) src(%dma_wait3A_10 : memref<1024xi32, #tpu.memory_space<hbm>>) dst(%arg8 : memref<1024xi32, #tpu.memory_space<vmem>>)
      tpu.yield
    }) : () -> ()
    "tpu.region"() ({
      %run_scoped3A = tpu.sem_alloc : memref<!tpu.dma_semaphore, #tpu.memory_space<semaphore_mem>>
      tpu.enqueue_dma source(%arg3 : memref<1024xf32, #tpu.memory_space<hbm>>) target(%arg12 : memref<1024xf32, #tpu.memory_space<vmem>>) target_semaphore(%run_scoped3A : memref<!tpu.dma_semaphore, #tpu.memory_space<semaphore_mem>>)
      tpu.wait_dma2 semaphore(%run_scoped3A : memref<!tpu.dma_semaphore, #tpu.memory_space<semaphore_mem>>) src(%arg3 : memref<1024xf32, #tpu.memory_space<hbm>>) dst(%arg12 : memref<1024xf32, #tpu.memory_space<vmem>>)
      tpu.yield
    }) : () -> ()
    %broadcast_in_dim3A = arith.constant 0.000000e+00 : f32
    %broadcast_in_dim3A_3 = vector.broadcast %broadcast_in_dim3A : f32 to vector<16xf32>
    %swap3A = arith.constant 0 : index
    %swap3A_4 = tpu.vector_load %arg13[%swap3A] {strides = array<i32>} : memref<16xf32, #tpu.memory_space<vmem>>, vector<16xf32>,
    tpu.vector_store %arg13[%swap3A], %broadcast_in_dim3A_3 {strides = array<i32>} : memref<16xf32, #tpu.memory_space<vmem>>, vector<16xf32>,
    %scan3A = arith.constant 0 : i32
    %scan3A_5 = arith.constant 8 : i32
    %scan3A_6 = arith.addi %scan3A, %scan3A_5 : i32
    %scan3A_7 = arith.constant 1 : i32
    scf.for %scan3A_9 = %scan3A to %scan3A_6 step %scan3A_7  : i32 {
      %mul3A_10 = arith.constant 1 : i32
      %mul3A_11 = arith.muli %scan3A_9, %mul3A_10 : i32
      %add3A_12 = arith.constant 0 : i32
      %add3A_13 = arith.addi %add3A_12, %mul3A_11 : i32
      %scan3A_14 = arith.constant 0 : i32
      %scan3A_15 = arith.constant 8 : i32
      %scan3A_16 = arith.addi %scan3A_14, %scan3A_15 : i32
      %scan3A_17 = arith.constant 1 : i32
      scf.for %scan3A_28 = %scan3A_14 to %scan3A_16 step %scan3A_17  : i32 {
        %mul3A_29 = arith.constant 1 : i32
        %mul3A_30 = arith.muli %scan3A_28, %mul3A_29 : i32
        %add3A_31 = arith.constant 0 : i32
        %add3A_32 = arith.addi %add3A_31, %mul3A_30 : i32
        %mul3A_33 = arith.constant 128 : i32
        %mul3A_34 = arith.muli %add3A_13, %mul3A_33 : i32
        %mul3A_35 = arith.constant 16 : i32
        %mul3A_36 = arith.muli %add3A_32, %mul3A_35 : i32
        %add3A_37 = arith.addi %mul3A_34, %mul3A_36 : i32
        %get3A = arith.index_cast %add3A_37 : i32 to index
        %get3A_38 = tpu.vector_load %arg7[%get3A] {strides = array<i32>} : memref<1024xi32, #tpu.memory_space<vmem>>, vector<16xi32>,
        %mul3A_39 = arith.constant 1024 : i32
        %mul3A_40 = vector.broadcast %mul3A_39 : i32 to vector<16xi32>
        %mul3A_41 = arith.muli %get3A_38, %mul3A_40 : vector<16xi32>
        %get3A_42 = arith.index_cast %add3A_37 : i32 to index
        %get3A_43 = tpu.vector_load %arg8[%get3A_42] {strides = array<i32>} : memref<1024xi32, #tpu.memory_space<vmem>>, vector<16xi32>,
        %add3A_44 = arith.addi %mul3A_41, %get3A_43 : vector<16xi32>
        %shift_right_logical3A = arith.constant 7 : i32
        %shift_right_logical3A_45 = vector.broadcast %shift_right_logical3A : i32 to vector<16xi32>
        %shift_right_logical3A_46 = arith.shrui %add3A_44, %shift_right_logical3A_45 : vector<16xi32>
        %mul3A_47 = arith.constant 16 : i32
        %mul3A_48 = arith.muli %add3A_32, %mul3A_47 : i32
        %swap3A_49 = arith.index_cast %mul3A_48 : i32 to index
        %swap3A_50 = tpu.vector_load %arg9[%swap3A_49] {strides = array<i32>} : memref<128xi32, #tpu.memory_space<vmem>>, vector<16xi32>,
        tpu.vector_store %arg9[%swap3A_49], %shift_right_logical3A_46 {strides = array<i32>} : memref<128xi32, #tpu.memory_space<vmem>>, vector<16xi32>,
        %and3A = arith.constant 127 : i32
        %and3A_51 = vector.broadcast %and3A : i32 to vector<16xi32>
        %and3A_52 = arith.andi %add3A_44, %and3A_51 : vector<16xi32>
        %mul3A_53 = arith.constant 16 : i32
        %mul3A_54 = arith.muli %add3A_32, %mul3A_53 : i32
        %swap3A_55 = arith.index_cast %mul3A_54 : i32 to index
        %swap3A_56 = tpu.vector_load %arg10[%swap3A_55] {strides = array<i32>} : memref<128xi32, #tpu.memory_space<vmem>>, vector<16xi32>,
        tpu.vector_store %arg10[%swap3A_55], %and3A_52 {strides = array<i32>} : memref<128xi32, #tpu.memory_space<vmem>>, vector<16xi32>,
      }
      %scan3A_18 = arith.constant 8 : i32
      %dma_start3A = arith.constant 0 : i32
      %dma_start3A_19 = arith.constant 0 : i32
      %dma_start3A_20 = tpu.memref_slice %arg2[%dma_start3A, %dma_start3A_19] : memref<8000x128xf32, #tpu.memory_space<hbm>> -> memref<8000x128xf32, #tpu.memory_space<hbm>>
      tpu.enqueue_indirect_dma source(%dma_start3A_20 : memref<8000x128xf32, #tpu.memory_space<hbm>>) target(%arg11 : memref<128x128xf32, #tpu.memory_space<vmem>>) offsets(%arg9 : memref<128xi32, #tpu.memory_space<vmem>>) semaphore(%arg14 : memref<!tpu.dma_semaphore, #tpu.memory_space<semaphore_mem>>)
      %dma_wait3A = arith.constant 0 : i32
      %dma_wait3A_21 = arith.constant 0 : i32
      %dma_wait3A_22 = tpu.memref_slice %arg2[%dma_wait3A, %dma_wait3A_21] : memref<8000x128xf32, #tpu.memory_space<hbm>> -> memref<8000x128xf32, #tpu.memory_space<hbm>>
      tpu.wait_indirect_dma semaphore(%arg14 : memref<!tpu.dma_semaphore, #tpu.memory_space<semaphore_mem>>) src(%dma_wait3A_22 : memref<8000x128xf32, #tpu.memory_space<hbm>>) dst(%arg11 : memref<128x128xf32, #tpu.memory_space<vmem>>)
      %scan3A_23 = arith.constant 0 : i32
      %scan3A_24 = arith.constant 8 : i32
      %scan3A_25 = arith.addi %scan3A_23, %scan3A_24 : i32
      %scan3A_26 = arith.constant 1 : i32
      scf.for %scan3A_28 = %scan3A_23 to %scan3A_25 step %scan3A_26  : i32 {
        %mul3A_29 = arith.constant 1 : i32
        %mul3A_30 = arith.muli %scan3A_28, %mul3A_29 : i32
        %add3A_31 = arith.constant 0 : i32
        %add3A_32 = arith.addi %add3A_31, %mul3A_30 : i32
        %mul3A_33 = arith.constant 128 : i32
        %mul3A_34 = arith.muli %add3A_13, %mul3A_33 : i32
        %mul3A_35 = arith.constant 16 : i32
        %mul3A_36 = arith.muli %add3A_32, %mul3A_35 : i32
        %add3A_37 = arith.addi %mul3A_34, %mul3A_36 : i32
        %iota3A = tpu.iota {dimensions = array<i32: 0>} : vector<16xi32>
        %mul3A_38 = arith.constant 16 : i32
        %mul3A_39 = arith.muli %add3A_32, %mul3A_38 : i32
        %add3A_40 = vector.broadcast %mul3A_39 : i32 to vector<16xi32>
        %add3A_41 = arith.addi %iota3A, %add3A_40 : vector<16xi32>
        %mul3A_42 = arith.constant 16 : i32
        %mul3A_43 = arith.muli %add3A_32, %mul3A_42 : i32
        %get3A = arith.index_cast %mul3A_43 : i32 to index
        %get3A_44 = tpu.vector_load %arg10[%get3A] {strides = array<i32>} : memref<128xi32, #tpu.memory_space<vmem>>, vector<16xi32>,
        %gather3A = tpu.vector_load_idx %arg11[%add3A_41, %get3A_44] : memref<128x128xf32, #tpu.memory_space<vmem>>[vector<16xi32>, vector<16xi32>], vector<16xf32>,
        %get3A_45 = arith.index_cast %add3A_37 : i32 to index
        %get3A_46 = tpu.vector_load %arg7[%get3A_45] {strides = array<i32>} : memref<1024xi32, #tpu.memory_space<vmem>>, vector<16xi32>,
        %gather3A_47 = tpu.vector_load_idx %arg12[%get3A_46] : memref<1024xf32, #tpu.memory_space<vmem>>[vector<16xi32>], vector<16xf32>,
        %get3A_48 = arith.constant 0 : index
        %get3A_49 = tpu.vector_load %arg13[%get3A_48] {strides = array<i32>} : memref<16xf32, #tpu.memory_space<vmem>>, vector<16xf32>,
        %sub3A = arith.subf %gather3A_47, %gather3A : vector<16xf32>
        %add3A_50 = arith.addf %get3A_49, %sub3A : vector<16xf32>
        %swap3A_51 = arith.constant 0 : index
        %swap3A_52 = tpu.vector_load %arg13[%swap3A_51] {strides = array<i32>} : memref<16xf32, #tpu.memory_space<vmem>>, vector<16xf32>,
        tpu.vector_store %arg13[%swap3A_51], %add3A_50 {strides = array<i32>} : memref<16xf32, #tpu.memory_space<vmem>>, vector<16xf32>,
      }
      %scan3A_27 = arith.constant 8 : i32
    }
    %scan3A_8 = arith.constant 8 : i32
    "tpu.region"() ({
      %run_scoped3A = tpu.sem_alloc : memref<!tpu.dma_semaphore, #tpu.memory_space<semaphore_mem>>
      %dma_start3A = arith.constant 0 : i32
      %dma_start3A_9 = tpu.memref_slice %arg6[%add3A, %dma_start3A] : memref<32x16xf32, #tpu.memory_space<hbm>> -> memref<1x16xf32, #tpu.memory_space<hbm>>
      %dma_start3A_10 = tpu.memref_squeeze %dma_start3A_9 : memref<1x16xf32, #tpu.memory_space<hbm>> -> memref<16xf32, #tpu.memory_space<hbm>>
      %dma_start3A_11 = arith.constant 0 : i32
      %dma_start3A_12 = tpu.memref_slice %arg6[%add3A, %dma_start3A_11] : memref<32x16xf32, #tpu.memory_space<hbm>> -> memref<1x16xf32, #tpu.memory_space<hbm>>
      %dma_start3A_13 = tpu.memref_squeeze %dma_start3A_12 : memref<1x16xf32, #tpu.memory_space<hbm>> -> memref<16xf32, #tpu.memory_space<hbm>>
      tpu.enqueue_dma source(%arg13 : memref<16xf32, #tpu.memory_space<vmem>>) target(%dma_start3A_13 : memref<16xf32, #tpu.memory_space<hbm>>) target_semaphore(%run_scoped3A : memref<!tpu.dma_semaphore, #tpu.memory_space<semaphore_mem>>)
      %dma_wait3A = arith.constant 0 : i32
      %dma_wait3A_14 = tpu.memref_slice %arg6[%add3A, %dma_wait3A] : memref<32x16xf32, #tpu.memory_space<hbm>> -> memref<1x16xf32, #tpu.memory_space<hbm>>
      %dma_wait3A_15 = tpu.memref_squeeze %dma_wait3A_14 : memref<1x16xf32, #tpu.memory_space<hbm>> -> memref<16xf32, #tpu.memory_space<hbm>>
      %dma_wait3A_16 = arith.constant 0 : i32
      %dma_wait3A_17 = tpu.memref_slice %arg6[%add3A, %dma_wait3A_16] : memref<32x16xf32, #tpu.memory_space<hbm>> -> memref<1x16xf32, #tpu.memory_space<hbm>>
      %dma_wait3A_18 = tpu.memref_squeeze %dma_wait3A_17 : memref<1x16xf32, #tpu.memory_space<hbm>> -> memref<16xf32, #tpu.memory_space<hbm>>
      tpu.wait_dma2 semaphore(%run_scoped3A : memref<!tpu.dma_semaphore, #tpu.memory_space<semaphore_mem>>) src(%arg13 : memref<16xf32, #tpu.memory_space<vmem>>) dst(%dma_wait3A_18 : memref<16xf32, #tpu.memory_space<hbm>>)
      tpu.yield
    }) : () -> ()
    return
  }
}

module attributes {stable_mosaic.version = 14 : i64} {
  func.func @_table_body(%arg0: memref<1000x32xf32, #tpu.memory_space<vmem>>, %arg1: memref<32x1024xf32, #tpu.memory_space<vmem>>, %arg2: memref<1x1024xf32, #tpu.memory_space<vmem>>, %arg3: memref<1000x1024xf32, #tpu.memory_space<vmem>>, %arg4: memref<1000x1xf32, #tpu.memory_space<vmem>>) attributes {dimension_semantics = [], scalar_prefetch = 0 : i64, scratch_operands = 0 : i64, tpu.core_type = #tpu.core_type<tc>} {
    %get3A = arith.constant 0 : index
    %get3A_0 = arith.constant 0 : index
    %get3A_1 = vector.load %arg0[%get3A, %get3A_0] : memref<1000x32xf32, #tpu.memory_space<vmem>>, vector<1000x32xf32>
    %get3A_2 = arith.constant 0 : index
    %get3A_3 = arith.constant 0 : index
    %get3A_4 = vector.load %arg1[%get3A_2, %get3A_3] : memref<32x1024xf32, #tpu.memory_space<vmem>>, vector<32x1024xf32>
    %dot_general3A = arith.constant dense<0.000000e+00> : vector<1000x1024xf32>
    %dot_general3A_5 = tpu.matmul %get3A_1, %get3A_4, %dot_general3A {dimension_numbers = #tpu.dot_dimension_numbers<[1], [0], [0], [1], [0, 0, 1, 1], [], []>, transpose_lhs_hint = false} : vector<1000x32xf32>, vector<32x1024xf32>, vector<1000x1024xf32> -> vector<1000x1024xf32>
    %get3A_6 = arith.constant 0 : index
    %get3A_7 = arith.constant 0 : index
    %get3A_8 = vector.load %arg2[%get3A_6, %get3A_7] : memref<1x1024xf32, #tpu.memory_space<vmem>>, vector<1x1024xf32>
    %add3A = vector.broadcast %get3A_8 : vector<1x1024xf32> to vector<1000x1024xf32>
    %add3A_9 = arith.addf %dot_general3A_5, %add3A : vector<1000x1024xf32>
    %swap3A = arith.constant 0 : index
    %swap3A_10 = arith.constant 0 : index
    %swap3A_11 = vector.load %arg3[%swap3A, %swap3A_10] : memref<1000x1024xf32, #tpu.memory_space<vmem>>, vector<1000x1024xf32>
    tpu.vector_store %arg3[%swap3A, %swap3A_10], %add3A_9 {strides = array<i32>} : memref<1000x1024xf32, #tpu.memory_space<vmem>>, vector<1000x1024xf32>,
    %reduce_max3A = arith.constant dense<0xFF800000> : vector<1000xf32>
    %reduce_max3A_12 = vector.multi_reduction <maximumf>, %add3A_9, %reduce_max3A [1] : vector<1000x1024xf32> to vector<1000xf32>
    %broadcast_in_dim3A = vector.shape_cast %reduce_max3A_12 : vector<1000xf32> to vector<1000x1xf32>
    %sub3A = vector.broadcast %broadcast_in_dim3A : vector<1000x1xf32> to vector<1000x1024xf32>
    %sub3A_13 = arith.subf %add3A_9, %sub3A : vector<1000x1024xf32>
    %exp3A = math.exp %sub3A_13 : vector<1000x1024xf32>
    %reduce_sum3A = arith.constant dense<0.000000e+00> : vector<1000xf32>
    %reduce_sum3A_14 = vector.multi_reduction <add>, %exp3A, %reduce_sum3A [1] : vector<1000x1024xf32> to vector<1000xf32>
    %broadcast_in_dim3A_15 = vector.shape_cast %reduce_sum3A_14 : vector<1000xf32> to vector<1000x1xf32>
    %log3A = math.log %broadcast_in_dim3A_15 : vector<1000x1xf32>
    %add3A_16 = arith.addf %log3A, %broadcast_in_dim3A : vector<1000x1xf32>
    %swap3A_17 = arith.constant 0 : index
    %swap3A_18 = arith.constant 0 : index
    %swap3A_19 = vector.load %arg4[%swap3A_17, %swap3A_18] : memref<1000x1xf32, #tpu.memory_space<vmem>>, vector<1000x1xf32>
    tpu.vector_store %arg4[%swap3A_17, %swap3A_18], %add3A_16 {strides = array<i32>} : memref<1000x1xf32, #tpu.memory_space<vmem>>, vector<1000x1xf32>,
    return
  }
}

module attributes {stable_mosaic.version = 14 : i64} {
  func.func @_logits_body(%arg0: i32, %arg1: memref<1x2048x1xi32, #tpu.memory_space<vmem>>, %arg2: memref<1000x32xbf16, #tpu.memory_space<vmem>>, %arg3: memref<1000x32xbf16, #tpu.memory_space<vmem>>, %arg4: memref<32x1000xf32, #tpu.memory_space<vmem>>, %arg5: memref<1x1000xf32, #tpu.memory_space<vmem>>, %arg6: memref<2048x1000xf32, #tpu.memory_space<vmem>>) attributes {dimension_semantics = [#tpu.dimension_semantics<arbitrary>], iteration_bounds = array<i64: 16>, scalar_prefetch = 0 : i64, scratch_operands = 0 : i64, tpu.core_type = #tpu.core_type<tc>, window_params = [{transform_indices = @transform_0, window_bounds = array<i64: 1, 2048, 1>}, {pipeline_mode = #tpu.pipeline_mode<synchronous>, transform_indices = @transform_1, window_bounds = array<i64: 1000, 32>}, {pipeline_mode = #tpu.pipeline_mode<synchronous>, transform_indices = @transform_2, window_bounds = array<i64: 1000, 32>}, {pipeline_mode = #tpu.pipeline_mode<synchronous>, transform_indices = @transform_3, window_bounds = array<i64: 32, 1000>}, {pipeline_mode = #tpu.pipeline_mode<synchronous>, transform_indices = @transform_4, window_bounds = array<i64: 1, 1000>}, {transform_indices = @transform_5, window_bounds = array<i64: 2048, 1000>}]} {
    %get3A = arith.constant 0 : index
    %get3A_0 = arith.constant 0 : index
    %get3A_1 = arith.constant 0 : index
    %get3A_2 = vector.load %arg1[%get3A, %get3A_0, %get3A_1] : memref<1x2048x1xi32, #tpu.memory_space<vmem>>, vector<1x2048x1xi32>
    %get3A_3 = vector.shape_cast %get3A_2 : vector<1x2048x1xi32> to vector<2048x1xi32>
    %iota3A = tpu.iota {dimensions = array<i32: 1>} : vector<2048x1000xi16>
    %convert_element_type3A = arith.trunci %get3A_3 : vector<2048x1xi32> to vector<2048x1xi16>
    %eq3A = vector.broadcast %convert_element_type3A : vector<2048x1xi16> to vector<2048x1000xi16>
    %eq3A_4 = arith.cmpi eq, %eq3A, %iota3A : vector<2048x1000xi16>
    %jit3A = arith.constant 1.000000e+00 : bf16
    %jit3A_5 = arith.constant 0.000000e+00 : bf16
    %broadcast_in_dim3A = vector.broadcast %jit3A : bf16 to vector<2048x1000xbf16>
    %broadcast_in_dim3A_6 = vector.broadcast %jit3A_5 : bf16 to vector<2048x1000xbf16>
    %select_n3A = arith.select %eq3A_4, %broadcast_in_dim3A, %broadcast_in_dim3A_6 : vector<2048x1000xi1>, vector<2048x1000xbf16>
    %get3A_7 = arith.constant 0 : index
    %get3A_8 = arith.constant 0 : index
    %get3A_9 = vector.load %arg2[%get3A_7, %get3A_8] : memref<1000x32xbf16, #tpu.memory_space<vmem>>, vector<1000x32xbf16>
    %dot_general3A = arith.constant dense<0.000000e+00> : vector<2048x32xf32>
    %dot_general3A_10 = tpu.matmul %select_n3A, %get3A_9, %dot_general3A {dimension_numbers = #tpu.dot_dimension_numbers<[1], [0], [0], [1], [0, 0, 1, 1], [], []>, transpose_lhs_hint = false} : vector<2048x1000xbf16>, vector<1000x32xbf16>, vector<2048x32xf32> -> vector<2048x32xf32>
    %get3A_11 = arith.constant 0 : index
    %get3A_12 = arith.constant 0 : index
    %get3A_13 = vector.load %arg3[%get3A_11, %get3A_12] : memref<1000x32xbf16, #tpu.memory_space<vmem>>, vector<1000x32xbf16>
    %dot_general3A_14 = arith.constant dense<0.000000e+00> : vector<2048x32xf32>
    %dot_general3A_15 = tpu.matmul %select_n3A, %get3A_13, %dot_general3A_14 {dimension_numbers = #tpu.dot_dimension_numbers<[1], [0], [0], [1], [0, 0, 1, 1], [], []>, transpose_lhs_hint = false} : vector<2048x1000xbf16>, vector<1000x32xbf16>, vector<2048x32xf32> -> vector<2048x32xf32>
    %add3A = arith.addf %dot_general3A_10, %dot_general3A_15 : vector<2048x32xf32>
    %get3A_16 = arith.constant 0 : index
    %get3A_17 = arith.constant 0 : index
    %get3A_18 = vector.load %arg4[%get3A_16, %get3A_17] : memref<32x1000xf32, #tpu.memory_space<vmem>>, vector<32x1000xf32>
    %dot_general3A_19 = arith.constant dense<0.000000e+00> : vector<2048x1000xf32>
    %dot_general3A_20 = tpu.matmul %add3A, %get3A_18, %dot_general3A_19 {dimension_numbers = #tpu.dot_dimension_numbers<[1], [0], [0], [1], [0, 0, 1, 1], [], []>, transpose_lhs_hint = false} : vector<2048x32xf32>, vector<32x1000xf32>, vector<2048x1000xf32> -> vector<2048x1000xf32>
    %get3A_21 = arith.constant 0 : index
    %get3A_22 = arith.constant 0 : index
    %get3A_23 = vector.load %arg5[%get3A_21, %get3A_22] : memref<1x1000xf32, #tpu.memory_space<vmem>>, vector<1x1000xf32>
    %add3A_24 = vector.broadcast %get3A_23 : vector<1x1000xf32> to vector<2048x1000xf32>
    %add3A_25 = arith.addf %dot_general3A_20, %add3A_24 : vector<2048x1000xf32>
    %swap3A = arith.constant 0 : index
    %swap3A_26 = arith.constant 0 : index
    %swap3A_27 = vector.load %arg6[%swap3A, %swap3A_26] : memref<2048x1000xf32, #tpu.memory_space<vmem>>, vector<2048x1000xf32>
    tpu.vector_store %arg6[%swap3A, %swap3A_26], %add3A_25 {strides = array<i32>} : memref<2048x1000xf32, #tpu.memory_space<vmem>>, vector<2048x1000xf32>,
    return
  }
  func.func @transform_0(%arg0: i32) -> (i32, i32, i32) {
    %c0_i32 = arith.constant 0 : i32
    %c0_i32_0 = arith.constant 0 : i32
    %c0_i32_1 = arith.constant 0 : i32
    return %arg0, %c0_i32, %c0_i32_0 : i32, i32, i32
  }
  func.func @transform_1(%arg0: i32) -> (i32, i32) {
    %c0_i32 = arith.constant 0 : i32
    %c0_i32_0 = arith.constant 0 : i32
    %c0_i32_1 = arith.constant 0 : i32
    return %c0_i32, %c0_i32_0 : i32, i32
  }
  func.func @transform_2(%arg0: i32) -> (i32, i32) {
    %c0_i32 = arith.constant 0 : i32
    %c0_i32_0 = arith.constant 0 : i32
    %c0_i32_1 = arith.constant 0 : i32
    return %c0_i32, %c0_i32_0 : i32, i32
  }
  func.func @transform_3(%arg0: i32) -> (i32, i32) {
    %c0_i32 = arith.constant 0 : i32
    %c0_i32_0 = arith.constant 0 : i32
    %c0_i32_1 = arith.constant 0 : i32
    return %c0_i32, %c0_i32_0 : i32, i32
  }
  func.func @transform_4(%arg0: i32) -> (i32, i32) {
    %c0_i32 = arith.constant 0 : i32
    %c0_i32_0 = arith.constant 0 : i32
    %c0_i32_1 = arith.constant 0 : i32
    return %c0_i32, %c0_i32_0 : i32, i32
  }
  func.func @transform_5(%arg0: i32) -> (i32, i32) {
    %c0_i32 = arith.constant 0 : i32
    %c0_i32_0 = arith.constant 0 : i32
    return %arg0, %c0_i32 : i32, i32
  }
}

</mosaic_0001>

<sc_bundles>
// kernel: kernel.5.cloned.1.call-start
scs
__scs_entry_jumppad:
0x0: {  	(pc) =	sbr.rel $0x88, $3  }
0x1: {  	(tag) =	ssettag $0x0;
	lr =	simm.s32 $0x1  }
0x2: {  	[smem:$0x3F9C] =	sst lr;
	_ =	strace $0xD0000000  }
0x3: {  	_ = 	snop  }
0x4: {  	_ = 	snop  }
0x5: {  	_ = 	snop  }
0x6: {  	_ = 	snop  }
0x7: {  	_ = 	snop  }
__scs_overlays_trampoline_lowered:
0x8: {  	[smem:$0x3FAB] =	sst s0  }
0x9: {  	[smem:$0x3FAC] =	sst s1  }
0xa: {  	[smem:$0x3FAD] =	sst s2  }
0xb: {  	[smem:$0x3FAE] =	sst s3  }
0xc: {  	[smem:$0x3FAF] =	sst s4  }
0xd: {  	[smem:$0x3FB0] =	sst s5  }
0xe: {  	[smem:$0x3FB1] =	sst s6  }
0xf: {  	[smem:$0x3FB2] =	sst s7  }
0x10: {  	[smem:$0x3FB3] =	sst s8  }
0x11: {  	[smem:$0x3FB4] =	sst s9;
	s0 =	simm.s32 @!p0 $0x0  }
0x12: {  	s1 =	sld [smem:$0x3F9A];
	s0 =	simm.s32 @p0 $0x1  }
0x13: {  	[smem:$0x3FB5] =	sst s0;
	s0 =	simm.s32 @!p1 $0x0  }
0x14: {  	s2 =	sld [smem:$0x3F99];
	s0 =	simm.s32 @p1 $0x1  }
0x15: {  	[smem:$0x3FB6] =	sst s0;
	s0 =	simm.s32 @!p2 $0x0  }
0x16: {  	s3 =	sld [smem:$0x3FDB];
	s0 =	simm.s32 @p2 $0x1  }
0x17: {  	s4 =	simm.s32 $0x1BF5;
	[smem:$0x3FB8] =	sst s0  }
0x18: {  	s0 =	sld [smem:$0x3F9B];
	_ =	swait.ge [sflag:s4], $0x0  }
0x19: {  	s7 =	sld [smem:$0x3F9C]  }
0x1a: {  	s8 =	sadd.s32 $0xFFFFE003, lr  }
0x1b: {  	s9 =	sadd.s32 $0xFFFFFEF7, lr;
	s5 =	simm.s32 $0xFFFFFFFF;
	p2 =	slt.u32 s8, $0xFFFFF086  }
0x1c: {  	p1 =	slt.u32 s9, $0xF7A;
	s5 =	simm.s32 @!p2 $0x0  }
0x1d: {  	s5 =	simm.s32 @p1 $0x1;
	p0 =	seq.s32 s7, s2  }
0x1e: {  	s7 =	smul.u32 @!p0 $0xF7A, s2;
	p2 =	seq.s32 @!p0 s5, $0x0  }
0x1f: {  	s9 =	smul.u32 $0xF7A, s1;
	s8 =	simm.s32 @!p0 $0x1BF5;
	p2 =	por !p2, p0  }
0x20: {  	[sflag:s8] =	ssyncset.s32 @!p0 $0xFFFFF086;
	s6 =	sadd.s32 @!p0 s3, s7;
	s7 =	simm.s32 @!p0 $0x108  }
0x21: {  	s3 =	sadd.s32 s3, s9;
	s6 =	sadd.s32 @!p0 $0x88, s6;
	s7 =	simm.s32 @p2 $0x1082  }
0x22: {  	[simem:s7], [sflag:s8] =	dma.local @!p0 [hbm:s6], $0xF7A  }
0x23: {  	s9 =	sor.u32 $0xD0000000, s2;
	s6 =	simm.s32 $0x108;
	_ =	swait.ge @!p0 [sflag:s8], $0x0  }
0x24: {  	s3 =	sadd.s32 $0x88, s3;
	s6 =	simm.s32 @!p1 $0x1082;
	[sflag:s4] =	ssyncset.s32 $0xFFFFF086  }
0x25: {  	[simem:s6], [sflag:s4] =	dma.local [hbm:s3], $0xF7A  }
0x26: {  	[smem:$0x3F9C] =	sst s1;
	(tag) =	ssettag s2;
	_ =	strace s9  }
0x27: {  	s1 =	sld [smem:$0x3FAC]  }
0x28: {  	s2 =	sld [smem:$0x3FAD]  }
0x29: {  	s4 =	sld [smem:$0x3FAF]  }
0x2a: {  	p0 =	seq.s32 s5, $0x0;
	s5 =	sld [smem:$0x3FB0]  }
0x2b: {  	s6 =	sld [smem:$0x3FB1]  }
0x2c: {  	s7 =	sld [smem:$0x3FB2]  }
0x2d: {  	s3 =	simm.s32 $0x108;
	s8 =	sld [smem:$0x3FB3]  }
0x2e: {  	s3 =	simm.s32 @!p0 $0x1082;
	s9 =	sld [smem:$0x3FB4]  }
0x2f: {  	lr =	sadd.s32 s0, s3;
	s0 =	sld [smem:$0x3FAB]  }
0x30: {  	s3 =	sld [smem:$0x3FAE]  }
0x31: {  	[smem:$0x3FB7] =	sst s10  }
0x32: {  	s10 =	sld [smem:$0x3FB5];
	_ =	sdelay $0x3  }
0x33: {  	p0 =	seq.s32 s10, $0x1;
	s10 =	sld [smem:$0x3FB7];
	_ =	sdelay $0x3  }
0x34: {  	[smem:$0x3FB7] =	sst s10  }
0x35: {  	s10 =	sld [smem:$0x3FB6];
	_ =	sdelay $0x3  }
0x36: {  	p1 =	seq.s32 s10, $0x1;
	s10 =	sld [smem:$0x3FB7];
	_ =	sdelay $0x3  }
0x37: {  	[smem:$0x3FB7] =	sst s10  }
0x38: {  	s10 =	sld [smem:$0x3FB8]  }
0x39: {  	_ = 	snop;
	(pc) =	sbr.ind lr, $3  }
0x3a: {  	_ = 	snop  }
0x3b: {  	_ = 	snop  }
0x3c: {  	p2 =	seq.s32 s10, $0x1;
	s10 =	sld [smem:$0x3FB7]  }
0x3d: {  	_ =	shalt  }
0x3e: {  	_ =	shalt  }
0x3f: {  	_ =	shalt  }
0x40: {  	_ =	shalt  }
0x41: {  	_ =	shalt  }
0x42: {  	_ =	shalt  }
0x43: {  	_ =	shalt  }
0x44: {  	_ =	shalt  }
0x45: {  	_ =	shalt  }
0x46: {  	_ =	shalt  }
0x47: {  	_ =	shalt  }
0x48: {  	_ =	shalt  }
0x49: {  	_ =	shalt  }
0x4a: {  	_ =	shalt  }
0x4b: {  	_ =	shalt  }
0x4c: {  	_ =	shalt  }
0x4d: {  	_ =	shalt  }
0x4e: {  	_ =	shalt  }
0x4f: {  	_ =	shalt  }
0x50: {  	_ =	shalt  }
0x51: {  	_ =	shalt  }
0x52: {  	_ =	shalt  }
0x53: {  	_ =	shalt  }
0x54: {  	_ =	shalt  }
0x55: {  	_ =	shalt  }
0x56: {  	_ =	shalt  }
0x57: {  	_ =	shalt  }
0x58: {  	_ =	shalt  }
0x59: {  	_ =	shalt  }
0x5a: {  	_ =	shalt  }
0x5b: {  	_ =	shalt  }
0x5c: {  	_ =	shalt  }
0x5d: {  	_ =	shalt  }
0x5e: {  	_ =	shalt  }
0x5f: {  	_ =	shalt  }
0x60: {  	_ =	shalt  }
0x61: {  	_ =	shalt  }
0x62: {  	_ =	shalt  }
0x63: {  	_ =	shalt  }
0x64: {  	_ =	shalt  }
0x65: {  	_ =	shalt  }
0x66: {  	_ =	shalt  }
0x67: {  	_ =	shalt  }
0x68: {  	_ =	shalt  }
0x69: {  	_ =	shalt  }
0x6a: {  	_ =	shalt  }
0x6b: {  	_ =	shalt  }
0x6c: {  	_ =	shalt  }
0x6d: {  	_ =	shalt  }
0x6e: {  	_ =	shalt  }
0x6f: {  	_ =	shalt  }
0x70: {  	_ =	shalt  }
0x71: {  	_ =	shalt  }
0x72: {  	_ =	shalt  }
0x73: {  	_ =	shalt  }
0x74: {  	_ =	shalt  }
0x75: {  	_ =	shalt  }
0x76: {  	_ =	shalt  }
0x77: {  	_ =	shalt  }
0x78: {  	_ =	shalt  }
0x79: {  	_ =	shalt  }
0x7a: {  	_ =	shalt  }
0x7b: {  	_ =	shalt  }
0x7c: {  	_ =	shalt  }
0x7d: {  	_ =	shalt  }
0x7e: {  	_ =	shalt  }
0x7f: {  	_ =	shalt  }
0x80: {  	_ =	shalt  }
0x81: {  	_ =	shalt  }
0x82: {  	_ =	shalt  }
0x83: {  	_ =	shalt  }
0x84: {  	_ =	shalt  }
0x85: {  	_ =	shalt  }
0x86: {  	_ =	shalt  }
0x87: {  	_ =	shalt  }
.Lfunc_end0:
.L_simem_size_0:
called_computation_lowered:
.L_overlay_start_0:
0x88: {  	s2 =	sld [smem:$0x3FD9]  }
0x89: {  	s3 =	sld [smem:$0x3FFE];
	_ =	sdelay $0x1  }
0x8a: {  	s1 =	srdreg.scid  }
0x8b: {  	s0 =	sand.u32 $0x1, s1  }
0x8c: {  	s16 =	sshll.u32 s0, $0xA;
	s2 =	sadd.s32 s3, s2  }
0x8d: {  	s2 =	sadd.s32 s2, s16  }
0x8e: {  	[smem:$0x3FC3] =	sst s2  }
0x8f: {  	_ = 	snop  }
0x90: {  	(tm) =	ssettm $0x1  }
0x91: {  	s17 =	sld [smem:$0x3FFB];
	_ =	sdelay $0x3  }
0x92: {  	_ =	strace s17  }
0x93: {  	s2 =	sld [smem:$0x3FFC];
	_ =	sdelay $0x3  }
0x94: {  	_ =	strace s2  }
0x95: {  	s2 =	sld [smem:$0x3FFD];
	_ =	sdelay $0x3  }
0x96: {  	_ =	strace s2  }
0x97: {  	_ =	strace $0x8FFFFFFF  }
0x98: {  	s18 =	sld [smem:$0x3FDB];
	_ =	sdelay $0x1  }
0x99: {  	s19 =	simm.s32 $_scs_section_size  }
0x9a: {  	s4 =	simm.s32 $_size__tile_overlayer_lowered;
	s5 =	simm.s32 $_tile_overlayer_lowered  }
0x9b: {  	s22 =	simm.s32 $0x1BFF;
	s21 =	sshll.u32 s5, $0x1;
	s2 =	sadd.s32 s19, s18  }
0x9c: {  	s6 =	simm.s32 $0x0;
	s20 =	sshll.u32 s4, $0x1;
	s4 =	sadd.s32 s21, s2  }
0x9d: {  	[timem:s6], [sflag:s22] =	dma.local [hbm:s4], s20  }
0x9e: {  	_ =	swait.ge [sflag:s22], s20  }
0x9f: {  	s3 =	ssub.s32 $0x0, s20;
	[sflag:s22] =	ssyncset.done $0x0  }
0xa0: {  	[sflag:s22] =	ssyncadd.s32 s3;
	_ =	sdelay $0x1  }
0xa1: {  	s23 =	simm.s32 $0x1B8B  }
0xa2: {  	_ =	swait.ge [sflag:s23], $0x1  }
0xa3: {  	[sflag:s23] =	ssyncset.done $0x0  }
0xa4: {  	s25 =	simm.s32 $0x1B8E;
	s24 =	sld [smem:$0x3FFE];
	[sflag:s23] =	ssyncadd.s32 $0xFFFFFFFF  }
0xa5: {  	s26 =	simm.s32 $execute0_lowered;
	[smem:$0x3FD2] =	sst s25  }
0xa6: {  	s4 =	sshll.u32 s26, $0x1;
	_ =	strace $0x80000046;
	[dreg:$0x1] =	wrdreg $0xFFFFFFFF  }
0xa7: {  	s28 =	simm.s32 $_size_execute0_lowered;
	s2 =	sadd.s32 s2, s4;
	[dreg:$0x0] =	wrdreg $0x0  }
0xa8: {  	s4 =	sshll.u32 s28, $0x1;
	[dreg:$0x2] =	wrdreg s2  }
0xa9: {  	[dreg:$0x3] =	wrdreg s4  }
0xaa: {  	[dreg:$0x4] =	wrdreg $0xC0  }
0xab: {  	_ =	task [dreg:s6], $0x5FFFF  }
0xac: {  	[dreg:$0x1] =	wrdreg $0xFFFFFFFF  }
0xad: {  	[dreg:$0x0] =	wrdreg $0x60  }
0xae: {  	[dreg:$0x2] =	wrdreg s24  }
0xaf: {  	[dreg:$0x3] =	wrdreg $0x9  }
0xb0: {  	_ =	task.clear_ibuf [dreg:s6], $0x4FFFF;
	_ =	strace $0x90000046  }
0xb1: {  	s29 =	simm.s32 $0x9;
	_ =	strace $0x80000048  }
0xb2: {  	_ =	swait.ge [sflag:s29], $0x1  }
0xb3: {  	[sflag:s29] =	ssyncadd.s32 $0xFFFFFFFF  }
0xb4: {  	_ =	strace $0x90000048  }
0xb5: {  	_ =	sfence  }
0xb6: {  	s30 =	sld [smem:$0x0];
	_ =	sdelay $0x2  }
0xb7: {  	s31 =	sshll.u32 s1, $0xD;
	s1 =	sshrl.u32 s1, $0x2  }
0xb8: {  	s3 =	sand.u32 $0x4000, s31;
	s1 =	sadd.s32 s1, s30  }
0xb9: {  	s0 =	sor.u32 s3, s0;
	s1 =	sshll.u32 s1, $0x11  }
0xba: {  	s0 =	sor.u32 s1, s0  }
0xbb: {  	s0 =	sadd.s32 $0x8F2B, s0  }
0xbc: {  	[sflag:s0] =	ssyncadd.remote.s32 $0x1  }
0xbd: {  	_ =	sfence.sel $0xFFFF  }
0xbe: {  	[dreg:$0x0] =	wrdreg $0xFFFFFFFF;
	(pc) =	sbr.abs _section_cstart, $3  }
0xbf: {  	[dreg:$0x1] =	wrdreg $0xFFFFFFFF  }
0xc0: {  	_ =	task.clear_ibuf [dreg:s6], $0x2FFFF;
	_ =	strace $0x9FFFFFFF  }
0xc1: {  	(tm) =	ssettm $0x7FFFFFFF  }
tec
execute0_lowered:
.L_overlay_start_1:
0x0: {  	(tag) =	ssettag $0x1  }
0x1: {  	s5 =	rddreg [dreg:$0x0]  }
0x2: {  	s0 =	rddreg [dreg:$0x1]  }
0x3: {  	s2 =	simm.s32 $0x0;
	s3 =	srdreg.scid;
	s1 =	stileid.u32  }
0x4: {  	s10 =	simm.s32 $0x400;
	s11 =	simm.s32 $0x4900;
	s12 =	simm.s32 $0x80  }
0x5: {  	s13 =	simm.s32 $0x800;
	s14 =	simm.s32 $0x900;
	s15 =	simm.s32 $0x1  }
0x6: {  	s16 =	simm.s32 $0x4D00;
	s17 =	simm.s32 $0x0;
	[smem:$0x7FF] =	sst s2  }
0x7: {  	s6 =	sand.u32 $0x1, s3;
	s3 =	sadd.s32 $0x2400, s5;
	s7 =	sshll.u32 s1, $0x8  }
0x8: {  	s4 =	sadd.s32 $0x21800, s5;
	s8 =	sshll.u32 s6, $0x7;
	s6 =	ssub.s32 $0x2, s6  }
0x9: {  	_ =	strace $0x80000047;
	s7 =	sor.u32 s8, s7;
	s9 =	sshrl.u32 s6, $0x1  }
0xa: {  	s8 =	sadd.s32 s7, s5;
	s7 =	sshrl.u32 s7, $0x3;
	s9 =	ssub.s32 s6, s9  }
0xb: {  	v1 =	vlaneseq.u32;
	s7 =	sadd.s32 s7, s5;
	s5 =	sadd.s32 $0x400, s8;
	s6 =	sadd.s32 $0x1400, s8  }
0xc: {  	v0 =	vimm.f32 $0.0e+00;
	v1 =	vmul.u32 $0x80, v1;
	s8 =	smax.u32 s9, $0x1;
	s9 =	simm.s32 $0x2;
	s7 =	sadd.s32 $0x21A00, s7  }
.LBB2_1:
0xd: {  	[tilespmem:s2], [sflag:$0x2] =	stream.linear.gather [hbm4b:s5+s2], $0x400, $0x38;
	[tilespmem:$0x4D80] =	vst v63  }
0xe: {  	_ =	swait.ge [sflag:s9], $0x400  }
0xf: {  	[sflag:s9] =	ssyncset.done $0x0  }
0x10: {  	[sflag:s9] =	ssyncadd.s32 $0xFFFFFC00  }
0x11: {  	[tilespmem:s10], [sflag:$0x2] =	stream.linear.gather [hbm4b:s6+s2], $0x400, $0x38;
	[tilespmem:$0x4D80] =	vst v63  }
0x12: {  	_ =	swait.ge [sflag:s9], $0x400  }
0x13: {  	[sflag:s9] =	ssyncset.done $0x0  }
0x14: {  	[sflag:s9] =	ssyncadd.s32 $0xFFFFFC00  }
0x15: {  	[tilespmem:s11], [sflag:$0x2] =	stream.linear.gather [hbm4b:s4+s2], $0x400, $0x38;
	[tilespmem:$0x4D80] =	vst v63  }
0x16: {  	_ =	swait.ge [sflag:s9], $0x400  }
0x17: {  	[sflag:s9] =	ssyncset.done $0x0  }
0x18: {  	[sflag:s9] =	ssyncadd.s32 $0xFFFFFC00  }
0x19: {  	s18 =	simm.s32 $0x0;
	s19 =	simm.s32 $0x0;
	[tilespmem:$0x4D00] =	vst v0  }
.LBB2_2:
0x1a: {  	s20 =	sshll.u32 s19, $0x7  }
0x1b: {  	v2 =	vld [tilespmem:s20+$0x0]  }
0x1c: {  	v3 =	vld [tilespmem:s20+$0x400];
	_ =	sdelay $0x3  }
0x1d: {  	v2 =	vshll.u32 v2, $0xA  }
0x1e: {  	v2 =	vadd.s32 v3, v2  }
0x1f: {  	v2 =	vshrl.u32 v2, $0x7  }
0x20: {  	[tilespmem:$0x800] =	vst v2;
	v2 =	vand.u32 $0x7F, v3  }
0x21: {  	[tilespmem:$0x880] =	vst v2  }
0x22: {  	v2 =	vld [tilespmem:s20+$0x10]  }
0x23: {  	v3 =	vld [tilespmem:s20+$0x410];
	_ =	sdelay $0x3  }
0x24: {  	v2 =	vshll.u32 v2, $0xA  }
0x25: {  	v2 =	vadd.s32 v3, v2  }
0x26: {  	v2 =	vshrl.u32 v2, $0x7  }
0x27: {  	[tilespmem:$0x810] =	vst v2;
	v2 =	vand.u32 $0x7F, v3  }
0x28: {  	[tilespmem:$0x890] =	vst v2  }
0x29: {  	v2 =	vld [tilespmem:s20+$0x20]  }
0x2a: {  	v3 =	vld [tilespmem:s20+$0x420];
	_ =	sdelay $0x3  }
0x2b: {  	v2 =	vshll.u32 v2, $0xA  }
0x2c: {  	v2 =	vadd.s32 v3, v2  }
0x2d: {  	v2 =	vshrl.u32 v2, $0x7  }
0x2e: {  	[tilespmem:$0x820] =	vst v2;
	v2 =	vand.u32 $0x7F, v3  }
0x2f: {  	[tilespmem:$0x8A0] =	vst v2  }
0x30: {  	v2 =	vld [tilespmem:s20+$0x30]  }
0x31: {  	v3 =	vld [tilespmem:s20+$0x430];
	_ =	sdelay $0x3  }
0x32: {  	v2 =	vshll.u32 v2, $0xA  }
0x33: {  	v2 =	vadd.s32 v3, v2  }
0x34: {  	v2 =	vshrl.u32 v2, $0x7  }
0x35: {  	[tilespmem:$0x830] =	vst v2;
	v2 =	vand.u32 $0x7F, v3  }
0x36: {  	[tilespmem:$0x8B0] =	vst v2  }
0x37: {  	v2 =	vld [tilespmem:s20+$0x40]  }
0x38: {  	v3 =	vld [tilespmem:s20+$0x440];
	_ =	sdelay $0x3  }
0x39: {  	v2 =	vshll.u32 v2, $0xA  }
0x3a: {  	v2 =	vadd.s32 v3, v2  }
0x3b: {  	v2 =	vshrl.u32 v2, $0x7  }
0x3c: {  	[tilespmem:$0x840] =	vst v2;
	v2 =	vand.u32 $0x7F, v3  }
0x3d: {  	[tilespmem:$0x8C0] =	vst v2  }
0x3e: {  	v2 =	vld [tilespmem:s20+$0x50]  }
0x3f: {  	v3 =	vld [tilespmem:s20+$0x450];
	_ =	sdelay $0x3  }
0x40: {  	v2 =	vshll.u32 v2, $0xA  }
0x41: {  	v2 =	vadd.s32 v3, v2  }
0x42: {  	v2 =	vshrl.u32 v2, $0x7  }
0x43: {  	[tilespmem:$0x850] =	vst v2;
	v2 =	vand.u32 $0x7F, v3  }
0x44: {  	[tilespmem:$0x8D0] =	vst v2  }
0x45: {  	v2 =	vld [tilespmem:s20+$0x60]  }
0x46: {  	v3 =	vld [tilespmem:s20+$0x460];
	_ =	sdelay $0x3  }
0x47: {  	v2 =	vshll.u32 v2, $0xA  }
0x48: {  	v2 =	vadd.s32 v3, v2  }
0x49: {  	v2 =	vshrl.u32 v2, $0x7  }
0x4a: {  	[tilespmem:$0x860] =	vst v2;
	v2 =	vand.u32 $0x7F, v3  }
0x4b: {  	[tilespmem:$0x8E0] =	vst v2  }
0x4c: {  	v2 =	vld [tilespmem:s20+$0x70]  }
0x4d: {  	v3 =	vld [tilespmem:s20+$0x470];
	_ =	sdelay $0x3  }
0x4e: {  	v2 =	vshll.u32 v2, $0xA  }
0x4f: {  	v2 =	vadd.s32 v3, v2  }
0x50: {  	v2 =	vshrl.u32 v2, $0x7  }
0x51: {  	[tilespmem:$0x870] =	vst v2;
	v2 =	vand.u32 $0x7F, v3  }
0x52: {  	[tilespmem:$0x8F0] =	vst v2  }
0x53: {  	[tilespmem:s14], [sflag:$0x1] =	stream.indirect.gather [hbm4b:s3+s12], $0x80, s13, s12, $0xb8;
	[tilespmem:$0x4D80] =	vst v63  }
0x54: {  	_ =	swait.ge [sflag:s15], $0x4000  }
0x55: {  	[sflag:s15] =	ssyncset.done $0x0  }
0x56: {  	s30 =	simm.s32 $0x880;
	[sflag:s15] =	ssyncadd.s32 $0xFFFFC000  }
0x57: {  	v2 =	vld [tilespmem:s30+$0x0];
	_ =	sdelay $0x1  }
0x58: {  	s31 =	simm.s32 $0x0  }
0x59: {  	v3 =	vmov s31;
	v4 =	vld [tilespmem:s18+$0x0]  }
0x5a: {  	v3 =	vshll.u32 v3, $0x7  }
0x5b: {  	v3 =	vor.u32 v1, v3;
	v5 =	vand.u32 $0xFFFFFF80, v2  }
0x5c: {  	v2 =	vand.u32 $0x7F, v2;
	v3 =	vadd.s32 v3, v5  }
0x5d: {  	v2 =	vor.u32 v2, v3;
	_ =	sdelay $0x3  }
0x5e: {  	v3 =	vld.idx.msk [tilespmem:v4+s11+$0x0], $0xffff  }
0x5f: {  	v2 =	vld.idx.msk [tilespmem:v2+s14+$0x0], $0xffff;
	_ =	sdelay $0x1  }
0x60: {  	v63 =	vld [tilespmem:$0x4D00];
	_ =	sdelay $0x2  }
0x61: {  	v2 =	vsub.f32 v3, v2;
	_ =	sdelay $0x1  }
0x62: {  	v2 =	vadd.f32 v2, v63;
	_ =	sdelay $0x1  }
0x63: {  	s20 =	simm.s32 $0x890;
	[tilespmem:$0x4D00] =	vst v2  }
0x64: {  	s21 =	simm.s32 $0x10;
	s23 =	simm.s32 $0x20;
	s22 =	smov.u32 s18;
	v2 =	vld [tilespmem:s20+$0x0]  }
.LBB2_3:
0x65: {  	p0 =	sne.s32 s23, $0x70  }
0x66: {  	s22 =	sadd.s32 $0x10, s22  }
0x67: {  	v3 =	vmov s21;
	s21 =	smov.u32 s23;
	v4 =	vld [tilespmem:s22+$0x0]  }
0x68: {  	v3 =	vshll.u32 v3, $0x7  }
0x69: {  	v3 =	vor.u32 v1, v3;
	v5 =	vand.u32 $0xFFFFFF80, v2  }
0x6a: {  	v2 =	vand.u32 $0x7F, v2;
	v3 =	vadd.s32 v3, v5  }
0x6b: {  	v2 =	vor.u32 v2, v3;
	_ =	sdelay $0x3  }
0x6c: {  	v3 =	vld.idx.msk [tilespmem:v4+s11+$0x0], $0xffff  }
0x6d: {  	v2 =	vld.idx.msk [tilespmem:v2+s14+$0x0], $0xffff;
	_ =	sdelay $0x2  }
0x6e: {  	v4 =	vld [tilespmem:$0x4D00];
	_ =	sdelay $0x2  }
0x6f: {  	v2 =	vsub.f32 v3, v2  }
.Ltmp0:
0x70: {  	(pc) =	sbr.rel @p0 .LBB2_3-.Ltmp0, $3  }
0x71: {  	v2 =	vadd.f32 v2, v4;
	_ =	sdelay $0x1  }
0x72: {  	s20 =	sadd.s32 $0x10, s20;
	[tilespmem:$0x4D00] =	vst v2  }
0x73: {  	s23 =	sadd.s32 $0x10, s23;
	v2 =	vld [tilespmem:s20+$0x0]  }
0x74: {  	_ = 	snop  }
0x75: {  	s20 =	sadd.s32 $0x10, s22  }
0x76: {  	v3 =	vmov s21;
	v4 =	vld [tilespmem:s20+$0x0]  }
0x77: {  	v3 =	vshll.u32 v3, $0x7  }
0x78: {  	v3 =	vor.u32 v1, v3;
	v5 =	vand.u32 $0xFFFFFF80, v2  }
0x79: {  	v2 =	vand.u32 $0x7F, v2;
	v3 =	vadd.s32 v3, v5  }
0x7a: {  	v2 =	vor.u32 v2, v3;
	_ =	sdelay $0x3  }
0x7b: {  	v3 =	vld.idx.msk [tilespmem:v4+s11+$0x0], $0xffff  }
0x7c: {  	v2 =	vld.idx.msk [tilespmem:v2+s14+$0x0], $0xffff;
	_ =	sdelay $0x1  }
0x7d: {  	v63 =	vld [tilespmem:$0x4D00]  }
0x7e: {  	s19 =	sadd.s32 $0x1, s19  }
0x7f: {  	p0 =	sne.s32 s19, $0x8  }
.Ltmp1:
0x80: {  	v2 =	vsub.f32 v3, v2;
	(pc) =	sbr.rel @p0 .LBB2_2-.Ltmp1, $3  }
0x81: {  	_ = 	snop  }
0x82: {  	v2 =	vadd.f32 v2, v63;
	_ =	sdelay $0x1  }
0x83: {  	s18 =	sadd.s32 $0x80, s18;
	[tilespmem:$0x4D00] =	vst v2  }
0x84: {  	s17 =	sadd.s32 $0x1, s17  }
0x85: {  	p0 =	sne.s32 s17, s8  }
.Ltmp2:
0x86: {  	_ = 	snop;
	(pc) =	sbr.rel @p0 .LBB2_1-.Ltmp2, $4  }
0x87: {  	[hbm4b:s7+s2] =	stream.linear.scatter [tilespmem:s16], [sflag:$0x2], $0x80, $0x38;
	[tilespmem:$0x4D80] =	vst v63  }
0x88: {  	_ =	swait.ge [sflag:s9], $0x80  }
0x89: {  	[sflag:s9] =	ssyncset.done $0x0  }
0x8a: {  	[sflag:s9] =	ssyncadd.s32 $0xFFFFFF80  }
0x8b: {  	_ =	sfence.sel $0x180000  }
0x8c: {  	[bflag:$0x0] =	sbarrier.arrive $0xFFFF  }
0x8d: {  	p0 =	sne.s32 s1, $0x0;
	_ =	strace $0x90000047  }
0x8e: {  	s0 =	sadd.s32 @!p0 $0x100000, s0;
	[bflag:$0x2] =	sbarrier.arrive $0xFFFF  }
0x8f: {  	[sflag:s0] =	ssyncadd.tile.s32 @!p0 $0x1;
	_ =	shalt  }
.Lfunc_end2:
_tile_overlayer_lowered:
.L_overlay_start_2:
0x90: {  	(tag) =	ssettag $0x2  }
0x91: {  	s0 =	rddreg [dreg:$0x0];
	s2 =	stileid.u32  }
0x92: {  	s1 =	rddreg [dreg:$0x1];
	p0 =	sne.s32 s2, $0x0  }
0x93: {  	s3 =	rddreg [dreg:$0x2];
	[bflag:$0x3] =	sbarrier.arrive $0xFFFF;
	s2 =	simm.s32 @!p0 $0x1C02  }
0x94: {  	[timem:s3], [sflag:s2] =	dma.local @!p0 [hbm:s0], s1  }
0x95: {  	s0 =	simm.s32 @!p0 $0x2  }
0x96: {  	_ =	swait.ge @!p0 [sflag:s0], s1  }
0x97: {  	s1 =	ssub.s32 @!p0 $0x0, s1;
	[sflag:s0] =	ssyncset.done @!p0 $0x0  }
0x98: {  	[sflag:s0] =	ssyncadd.s32 @!p0 s1  }
0x99: {  	[bflag:$0x3] =	sbarrier.arrive $0xFFFF  }
0x9a: {  	_ =	shalt  }

</sc_bundles>
